<compile_context>
chip_gen: v7x
topology: tpu7x:2x2x1
jax: 0.10.2.dev20260603
libtpu: 0.0.44.dev20260713+nightly
codegen_flags: <defaults>
</compile_context>

<pallas_src>
import functools

import jax
import jax.numpy as jnp
from jax import lax
from jax.experimental import pallas as pl
from jax.experimental.pallas import tpu as pltpu
from jax.experimental.pallas import tpu_sc as plsc

F = 26
V1 = 100001
D = 32
L = 16
NW = 32
OCH = 4096


def _gather_kernel(B, idx_hbm, tab_hbm, out_hbm, idx_v, row_v, ob0, ob1,
                   *sems):
    obufs = (ob0, ob1)
    per_w = (F * D) // NW
    n_och = B // OCH
    wid = lax.axis_index("c") * 16 + lax.axis_index("s")
    p0 = wid * per_w

    def load_idx(f):
        pltpu.sync_copy(idx_hbm.at[f], idx_v)

        @plsc.parallel_loop(0, B // L, unroll=8)
        def _(i):
            sl = pl.ds(i * L, L)
            idx_v[sl] = jnp.minimum(jnp.maximum(idx_v[sl], 0), V1 - 1)

    def task(t, _):
        p = p0 + t
        f = lax.shift_right_logical(p, 5)
        d = lax.bitwise_and(p, D - 1)

        row_cp = pltpu.async_copy(tab_hbm.at[f, d], row_v, sems[2])

        @pl.when(jnp.logical_or(t == 0, d == 0))
        def _():
            load_idx(f)

        row_cp.wait()

        for c in range(n_och):
            buf = obufs[c % 2]
            prev = pltpu.make_async_copy(
                buf, out_hbm.at[0, 0, pl.ds(0, OCH)], sems[c % 2])
            if c >= 2:
                prev.wait()
            else:
                @pl.when(t > 0)
                def _():
                    prev.wait()

            @plsc.parallel_loop(0, OCH // L, unroll=8)
            def _(j):
                iv = idx_v[pl.ds(c * OCH + j * L, L)]
                buf[pl.ds(j * L, L)] = plsc.load_gather(row_v, [iv])
            pltpu.async_copy(
                buf, out_hbm.at[f, d, pl.ds(c * OCH, OCH)], sems[c % 2])
        return 0

    lax.fori_loop(0, per_w, task, 0)
    for k in range(2):
        pltpu.make_async_copy(
            obufs[k], out_hbm.at[0, 0, pl.ds(0, OCH)], sems[k]).wait()


def kernel(int_feats, tables):
    B, nf = int_feats.shape
    assert nf == F and tables.shape == (F, V1, D)
    assert (F * D) % NW == 0 and B % (8 * L) == 0 and B % OCH == 0

    idx_t = int_feats.T
    tab_t = tables.transpose(0, 2, 1)

    mesh = plsc.VectorSubcoreMesh(core_axis_name="c", subcore_axis_name="s",
                                  num_cores=2, num_subcores=16)
    run = pl.kernel(
        functools.partial(_gather_kernel, B),
        out_type=jax.ShapeDtypeStruct((F, D, B), jnp.float32),
        mesh=mesh,
        scratch_types=(
            [pltpu.VMEM((B,), jnp.int32),
             pltpu.VMEM((V1,), jnp.float32),
             pltpu.VMEM((OCH,), jnp.float32),
             pltpu.VMEM((OCH,), jnp.float32)]
            + [pltpu.SemaphoreType.DMA] * 3
        ),
        compiler_params=pltpu.CompilerParams(needs_layout_passes=False),
    )
    out_t = run(idx_t, tab_t)
    return out_t.transpose(2, 0, 1)

# --- scband reference (transcript-rebuilt; emitter-appended) ---
"""Pipeline reference for scband-feature-embedding-bank-163208757437 (READ-ONLY COPY).

The authoritative reference and input builder live on the scoring server;
editing this copy changes nothing except your own understanding.
"""

import jax, jax.numpy as jnp
import numpy as np

FEATURE_SPECS = [(100000, i, 1) for i in range(26)]
EMB_DIM = 32
BATCH = 16384


def setup_inputs(seed: int = 0) -> dict:
    key = jax.random.key(seed)
    k_idx, k_tab = jax.random.split(key)
    int_feats = jax.random.randint(k_idx, (BATCH, 26), 0, 100000, dtype=jnp.int32)
    # 26 embedding tables, each (vocab+1, emb_dim), xavier-normal-ish init, padding row 0 zeroed
    tables = jax.random.normal(k_tab, (26, 100001, EMB_DIM), dtype=jnp.float32) * (2.0 / (100001 + EMB_DIM)) ** 0.5
    tables = tables.at[:, 0, :].set(0.0)
    return {"int_feats": int_feats, "tables": tables}


def reference(int_feats, tables):
    batch_size = int_feats.shape[0]
    tokens = []
    for feature_index, (vocab_size, offset, length) in enumerate(FEATURE_SPECS):
        values = jnp.clip(int_feats[:, offset:offset + length].astype(jnp.int32), 0, vocab_size)
        emb = jnp.take(tables[feature_index], values, axis=0)  # [B, length, D]
        tokens.append(jnp.mean(emb, axis=1))  # embedding_bag mean over the bag
    return jnp.stack(tokens, axis=1)  # [B, n_features, D]

if __name__ == "__main__":
    import jax
    _d = setup_inputs()
    print(jax.jit(kernel)(*tuple(_d.values())))

</pallas_src>

<mosaic_0001>
#map = affine_map<(d0, d1) -> (0, 0)>
#map1 = affine_map<(d0, d1) -> (0, 0, 0)>
module attributes {stable_mosaic.version = 14 : i64} {
  func.func @_gather_kernel(%arg0: i32, %arg1: i32, %arg2: memref<26x16384xi32, #tpu.memory_space<hbm>>, %arg3: memref<26x32x100001xf32, #tpu.memory_space<hbm>>, %arg4: memref<26x32x16384xf32, #tpu.memory_space<hbm>>, %arg5: memref<16384xi32, #tpu.memory_space<vmem>>, %arg6: memref<100001xf32, #tpu.memory_space<vmem>>, %arg7: memref<4096xf32, #tpu.memory_space<vmem>>, %arg8: memref<4096xf32, #tpu.memory_space<vmem>>, %arg9: memref<!tpu.dma_semaphore, #tpu.memory_space<semaphore_mem>>, %arg10: memref<!tpu.dma_semaphore, #tpu.memory_space<semaphore_mem>>, %arg11: memref<!tpu.dma_semaphore, #tpu.memory_space<semaphore_mem>>) attributes {dimension_semantics = [#tpu.dimension_semantics<core_parallel>, #tpu.dimension_semantics<subcore_parallel>], iteration_bounds = array<i64: 2, 16>, scalar_prefetch = 0 : i64, scratch_operands = 7 : i64, tpu.core_type = #tpu.core_type<sc_vector_subcore>, window_params = [{transform_indices = #map}, {transform_indices = #map1}, {transform_indices = #map1}]} {
    %mul3A = arith.constant 16 : i32
    %mul3A_0 = arith.muli %arg0, %mul3A : i32
    %add3A = arith.addi %mul3A_0, %arg1 : i32
    %mul3A_1 = arith.constant 26 : i32
    %mul3A_2 = arith.muli %add3A, %mul3A_1 : i32
    %scan3A = arith.constant 0 : i32
    %scan3A_3 = arith.constant 0 : i32
    %scan3A_4 = arith.constant 26 : i32
    %scan3A_5 = arith.addi %scan3A_3, %scan3A_4 : i32
    %scan3A_6 = arith.constant 1 : i32
    %scan3A_7 = scf.for %scan3A_24 = %scan3A_3 to %scan3A_5 step %scan3A_6 iter_args(%scan3A_25 = %scan3A) -> (i32)  : i32 {
      %add3A_26 = arith.addi %mul3A_2, %scan3A_24 : i32
      %shift_right_logical3A = arith.constant 5 : i32
      %shift_right_logical3A_27 = arith.shrui %add3A_26, %shift_right_logical3A : i32
      %and3A = arith.constant 31 : i32
      %and3A_28 = arith.andi %add3A_26, %and3A : i32
      %dma_start3A = arith.constant 0 : i32
      %dma_start3A_29 = tpu.memref_slice %arg3[%shift_right_logical3A_27, %and3A_28, %dma_start3A] : memref<26x32x100001xf32, #tpu.memory_space<hbm>> -> memref<1x1x100001xf32, #tpu.memory_space<hbm>>
      %dma_start3A_30 = tpu.memref_squeeze %dma_start3A_29 : memref<1x1x100001xf32, #tpu.memory_space<hbm>> -> memref<100001xf32, #tpu.memory_space<hbm>>
      %dma_start3A_31 = arith.constant 0 : i32
      %dma_start3A_32 = tpu.memref_slice %arg3[%shift_right_logical3A_27, %and3A_28, %dma_start3A_31] : memref<26x32x100001xf32, #tpu.memory_space<hbm>> -> memref<1x1x100001xf32, #tpu.memory_space<hbm>>
      %dma_start3A_33 = tpu.memref_squeeze %dma_start3A_32 : memref<1x1x100001xf32, #tpu.memory_space<hbm>> -> memref<100001xf32, #tpu.memory_space<hbm>>
      tpu.enqueue_dma source(%dma_start3A_33 : memref<100001xf32, #tpu.memory_space<hbm>>) target(%arg6 : memref<100001xf32, #tpu.memory_space<vmem>>) target_semaphore(%arg11 : memref<!tpu.dma_semaphore, #tpu.memory_space<semaphore_mem>>)
      %eq3A = arith.constant 0 : i32
      %eq3A_34 = arith.cmpi eq, %scan3A_24, %eq3A : i32
      %eq3A_35 = arith.constant 0 : i32
      %eq3A_36 = arith.cmpi eq, %and3A_28, %eq3A_35 : i32
      %or3A = arith.ori %eq3A_34, %eq3A_36 : i1
      %convert_element_type3A = arith.extui %or3A : i1 to i32
      %cond3A = arith.constant 0 : i32
      %cond3A_37 = arith.cmpi ne, %convert_element_type3A, %cond3A : i32
      scf.if %cond3A_37 {
        "tpu.region"() ({
          %run_scoped3A = tpu.sem_alloc : memref<!tpu.dma_semaphore, #tpu.memory_space<semaphore_mem>>
          %dma_start3A_112 = arith.constant 0 : i32
          %dma_start3A_113 = tpu.memref_slice %arg2[%shift_right_logical3A_27, %dma_start3A_112] : memref<26x16384xi32, #tpu.memory_space<hbm>> -> memref<1x16384xi32, #tpu.memory_space<hbm>>
          %dma_start3A_114 = tpu.memref_squeeze %dma_start3A_113 : memref<1x16384xi32, #tpu.memory_space<hbm>> -> memref<16384xi32, #tpu.memory_space<hbm>>
          %dma_start3A_115 = arith.constant 0 : i32
          %dma_start3A_116 = tpu.memref_slice %arg2[%shift_right_logical3A_27, %dma_start3A_115] : memref<26x16384xi32, #tpu.memory_space<hbm>> -> memref<1x16384xi32, #tpu.memory_space<hbm>>
          %dma_start3A_117 = tpu.memref_squeeze %dma_start3A_116 : memref<1x16384xi32, #tpu.memory_space<hbm>> -> memref<16384xi32, #tpu.memory_space<hbm>>
          tpu.enqueue_dma source(%dma_start3A_117 : memref<16384xi32, #tpu.memory_space<hbm>>) target(%arg5 : memref<16384xi32, #tpu.memory_space<vmem>>) target_semaphore(%run_scoped3A : memref<!tpu.dma_semaphore, #tpu.memory_space<semaphore_mem>>)
          %dma_wait3A_118 = arith.constant 0 : i32
          %dma_wait3A_119 = tpu.memref_slice %arg2[%shift_right_logical3A_27, %dma_wait3A_118] : memref<26x16384xi32, #tpu.memory_space<hbm>> -> memref<1x16384xi32, #tpu.memory_space<hbm>>
          %dma_wait3A_120 = tpu.memref_squeeze %dma_wait3A_119 : memref<1x16384xi32, #tpu.memory_space<hbm>> -> memref<16384xi32, #tpu.memory_space<hbm>>
          %dma_wait3A_121 = arith.constant 0 : i32
          %dma_wait3A_122 = tpu.memref_slice %arg2[%shift_right_logical3A_27, %dma_wait3A_121] : memref<26x16384xi32, #tpu.memory_space<hbm>> -> memref<1x16384xi32, #tpu.memory_space<hbm>>
          %dma_wait3A_123 = tpu.memref_squeeze %dma_wait3A_122 : memref<1x16384xi32, #tpu.memory_space<hbm>> -> memref<16384xi32, #tpu.memory_space<hbm>>
          tpu.wait_dma2 semaphore(%run_scoped3A : memref<!tpu.dma_semaphore, #tpu.memory_space<semaphore_mem>>) src(%dma_wait3A_123 : memref<16384xi32, #tpu.memory_space<hbm>>) dst(%arg5 : memref<16384xi32, #tpu.memory_space<vmem>>)
          tpu.yield
        }) : () -> ()
        %parallel_loop3A_109 = arith.constant 0 : i32
        %parallel_loop3A_110 = arith.constant 1024 : i32
        %parallel_loop3A_111 = arith.constant 1 : i32
        scf.for %parallel_loop3A_112 = %parallel_loop3A_109 to %parallel_loop3A_110 step %parallel_loop3A_111  : i32 {
          %parallel_loop3A_113 = arith.constant 16 : i32
          %parallel_loop3A_114 = arith.muli %parallel_loop3A_112, %parallel_loop3A_113 : i32
          %parallel_loop3A_115 = arith.index_cast %parallel_loop3A_114 : i32 to index
          %parallel_loop3A_116 = tpu.vector_load %arg5[%parallel_loop3A_115] {strides = array<i32>} : memref<16384xi32, #tpu.memory_space<vmem>>, vector<16xi32>,
          %parallel_loop3A_117 = arith.constant 0 : i32
          %parallel_loop3A_118 = vector.broadcast %parallel_loop3A_117 : i32 to vector<16xi32>
          %parallel_loop3A_119 = arith.maxsi %parallel_loop3A_116, %parallel_loop3A_118 : vector<16xi32>
          %parallel_loop3A_120 = arith.constant 100000 : i32
          %parallel_loop3A_121 = vector.broadcast %parallel_loop3A_120 : i32 to vector<16xi32>
          %parallel_loop3A_122 = arith.minsi %parallel_loop3A_119, %parallel_loop3A_121 : vector<16xi32>
          %parallel_loop3A_123 = arith.index_cast %parallel_loop3A_114 : i32 to index
          %parallel_loop3A_124 = tpu.vector_load %arg5[%parallel_loop3A_123] {strides = array<i32>} : memref<16384xi32, #tpu.memory_space<vmem>>, vector<16xi32>,
          tpu.vector_store %arg5[%parallel_loop3A_123], %parallel_loop3A_122 {strides = array<i32>} : memref<16384xi32, #tpu.memory_space<vmem>>, vector<16xi32>,
        } {sc.loop_unroll_factor = 8 : i64, sc.parallel_access}
      } else {
      }
      %dma_wait3A_38 = arith.constant 0 : i32
      %dma_wait3A_39 = tpu.memref_slice %arg3[%shift_right_logical3A_27, %and3A_28, %dma_wait3A_38] : memref<26x32x100001xf32, #tpu.memory_space<hbm>> -> memref<1x1x100001xf32, #tpu.memory_space<hbm>>
      %dma_wait3A_40 = tpu.memref_squeeze %dma_wait3A_39 : memref<1x1x100001xf32, #tpu.memory_space<hbm>> -> memref<100001xf32, #tpu.memory_space<hbm>>
      %dma_wait3A_41 = arith.constant 0 : i32
      %dma_wait3A_42 = tpu.memref_slice %arg3[%shift_right_logical3A_27, %and3A_28, %dma_wait3A_41] : memref<26x32x100001xf32, #tpu.memory_space<hbm>> -> memref<1x1x100001xf32, #tpu.memory_space<hbm>>
      %dma_wait3A_43 = tpu.memref_squeeze %dma_wait3A_42 : memref<1x1x100001xf32, #tpu.memory_space<hbm>> -> memref<100001xf32, #tpu.memory_space<hbm>>
      tpu.wait_dma2 semaphore(%arg11 : memref<!tpu.dma_semaphore, #tpu.memory_space<semaphore_mem>>) src(%dma_wait3A_43 : memref<100001xf32, #tpu.memory_space<hbm>>) dst(%arg6 : memref<100001xf32, #tpu.memory_space<vmem>>)
      %gt3A = arith.constant 0 : i32
      %gt3A_44 = arith.cmpi sgt, %scan3A_24, %gt3A : i32
      %convert_element_type3A_45 = arith.extui %gt3A_44 : i1 to i32
      %cond3A_46 = arith.constant 0 : i32
      %cond3A_47 = arith.constant 0 : i32
      %cond3A_48 = arith.constant 0 : i32
      %cond3A_49 = arith.cmpi ne, %convert_element_type3A_45, %cond3A_48 : i32
      scf.if %cond3A_49 {
        %dma_wait3A_109 = arith.constant 0 : i32
        %dma_wait3A_110 = tpu.memref_slice %arg4[%cond3A_46, %cond3A_47, %dma_wait3A_109] : memref<26x32x16384xf32, #tpu.memory_space<hbm>> -> memref<1x1x4096xf32, #tpu.memory_space<hbm>>
        %dma_wait3A_111 = tpu.memref_squeeze %dma_wait3A_110 : memref<1x1x4096xf32, #tpu.memory_space<hbm>> -> memref<4096xf32, #tpu.memory_space<hbm>>
        %dma_wait3A_112 = arith.constant 0 : i32
        %dma_wait3A_113 = tpu.memref_slice %arg4[%cond3A_46, %cond3A_47, %dma_wait3A_112] : memref<26x32x16384xf32, #tpu.memory_space<hbm>> -> memref<1x1x4096xf32, #tpu.memory_space<hbm>>
        %dma_wait3A_114 = tpu.memref_squeeze %dma_wait3A_113 : memref<1x1x4096xf32, #tpu.memory_space<hbm>> -> memref<4096xf32, #tpu.memory_space<hbm>>
        tpu.wait_dma2 semaphore(%arg9 : memref<!tpu.dma_semaphore, #tpu.memory_space<semaphore_mem>>) src(%arg7 : memref<4096xf32, #tpu.memory_space<vmem>>) dst(%dma_wait3A_114 : memref<4096xf32, #tpu.memory_space<hbm>>)
      } else {
      }
      %parallel_loop3A = arith.constant 0 : i32
      %parallel_loop3A_50 = arith.constant 256 : i32
      %parallel_loop3A_51 = arith.constant 1 : i32
      scf.for %parallel_loop3A_109 = %parallel_loop3A to %parallel_loop3A_50 step %parallel_loop3A_51  : i32 {
        %parallel_loop3A_110 = arith.constant 16 : i32
        %parallel_loop3A_111 = arith.muli %parallel_loop3A_109, %parallel_loop3A_110 : i32
        %parallel_loop3A_112 = arith.constant 0 : i32
        %parallel_loop3A_113 = arith.addi %parallel_loop3A_112, %parallel_loop3A_111 : i32
        %parallel_loop3A_114 = arith.index_cast %parallel_loop3A_113 : i32 to index
        %parallel_loop3A_115 = tpu.vector_load %arg5[%parallel_loop3A_114] {strides = array<i32>} : memref<16384xi32, #tpu.memory_space<vmem>>, vector<16xi32>,
        %parallel_loop3A_116 = tpu.vector_load_idx %arg6[%parallel_loop3A_115] : memref<100001xf32, #tpu.memory_space<vmem>>[vector<16xi32>], vector<16xf32>,
        %parallel_loop3A_117 = arith.constant 16 : i32
        %parallel_loop3A_118 = arith.muli %parallel_loop3A_109, %parallel_loop3A_117 : i32
        %parallel_loop3A_119 = arith.index_cast %parallel_loop3A_118 : i32 to index
        %parallel_loop3A_120 = tpu.vector_load %arg7[%parallel_loop3A_119] {strides = array<i32>} : memref<4096xf32, #tpu.memory_space<vmem>>, vector<16xf32>,
        tpu.vector_store %arg7[%parallel_loop3A_119], %parallel_loop3A_116 {strides = array<i32>} : memref<4096xf32, #tpu.memory_space<vmem>>, vector<16xf32>,
      } {sc.loop_unroll_factor = 8 : i64, sc.parallel_access}
      %dma_start3A_52 = arith.constant 0 : i32
      %dma_start3A_53 = tpu.memref_slice %arg4[%shift_right_logical3A_27, %and3A_28, %dma_start3A_52] : memref<26x32x16384xf32, #tpu.memory_space<hbm>> -> memref<1x1x4096xf32, #tpu.memory_space<hbm>>
      %dma_start3A_54 = tpu.memref_squeeze %dma_start3A_53 : memref<1x1x4096xf32, #tpu.memory_space<hbm>> -> memref<4096xf32, #tpu.memory_space<hbm>>
      %dma_start3A_55 = arith.constant 0 : i32
      %dma_start3A_56 = tpu.memref_slice %arg4[%shift_right_logical3A_27, %and3A_28, %dma_start3A_55] : memref<26x32x16384xf32, #tpu.memory_space<hbm>> -> memref<1x1x4096xf32, #tpu.memory_space<hbm>>
      %dma_start3A_57 = tpu.memref_squeeze %dma_start3A_56 : memref<1x1x4096xf32, #tpu.memory_space<hbm>> -> memref<4096xf32, #tpu.memory_space<hbm>>
      tpu.enqueue_dma source(%arg7 : memref<4096xf32, #tpu.memory_space<vmem>>) target(%dma_start3A_57 : memref<4096xf32, #tpu.memory_space<hbm>>) target_semaphore(%arg9 : memref<!tpu.dma_semaphore, #tpu.memory_space<semaphore_mem>>)
      %gt3A_58 = arith.constant 0 : i32
      %gt3A_59 = arith.cmpi sgt, %scan3A_24, %gt3A_58 : i32
      %convert_element_type3A_60 = arith.extui %gt3A_59 : i1 to i32
      %cond3A_61 = arith.constant 0 : i32
      %cond3A_62 = arith.constant 0 : i32
      %cond3A_63 = arith.constant 0 : i32
      %cond3A_64 = arith.cmpi ne, %convert_element_type3A_60, %cond3A_63 : i32
      scf.if %cond3A_64 {
        %dma_wait3A_109 = arith.constant 0 : i32
        %dma_wait3A_110 = tpu.memref_slice %arg4[%cond3A_61, %cond3A_62, %dma_wait3A_109] : memref<26x32x16384xf32, #tpu.memory_space<hbm>> -> memref<1x1x4096xf32, #tpu.memory_space<hbm>>
        %dma_wait3A_111 = tpu.memref_squeeze %dma_wait3A_110 : memref<1x1x4096xf32, #tpu.memory_space<hbm>> -> memref<4096xf32, #tpu.memory_space<hbm>>
        %dma_wait3A_112 = arith.constant 0 : i32
        %dma_wait3A_113 = tpu.memref_slice %arg4[%cond3A_61, %cond3A_62, %dma_wait3A_112] : memref<26x32x16384xf32, #tpu.memory_space<hbm>> -> memref<1x1x4096xf32, #tpu.memory_space<hbm>>
        %dma_wait3A_114 = tpu.memref_squeeze %dma_wait3A_113 : memref<1x1x4096xf32, #tpu.memory_space<hbm>> -> memref<4096xf32, #tpu.memory_space<hbm>>
        tpu.wait_dma2 semaphore(%arg10 : memref<!tpu.dma_semaphore, #tpu.memory_space<semaphore_mem>>) src(%arg8 : memref<4096xf32, #tpu.memory_space<vmem>>) dst(%dma_wait3A_114 : memref<4096xf32, #tpu.memory_space<hbm>>)
      } else {
      }
      %parallel_loop3A_65 = arith.constant 0 : i32
      %parallel_loop3A_66 = arith.constant 256 : i32
      %parallel_loop3A_67 = arith.constant 1 : i32
      scf.for %parallel_loop3A_109 = %parallel_loop3A_65 to %parallel_loop3A_66 step %parallel_loop3A_67  : i32 {
        %parallel_loop3A_110 = arith.constant 16 : i32
        %parallel_loop3A_111 = arith.muli %parallel_loop3A_109, %parallel_loop3A_110 : i32
        %parallel_loop3A_112 = arith.constant 4096 : i32
        %parallel_loop3A_113 = arith.addi %parallel_loop3A_112, %parallel_loop3A_111 : i32
        %parallel_loop3A_114 = arith.index_cast %parallel_loop3A_113 : i32 to index
        %parallel_loop3A_115 = tpu.vector_load %arg5[%parallel_loop3A_114] {strides = array<i32>} : memref<16384xi32, #tpu.memory_space<vmem>>, vector<16xi32>,
        %parallel_loop3A_116 = tpu.vector_load_idx %arg6[%parallel_loop3A_115] : memref<100001xf32, #tpu.memory_space<vmem>>[vector<16xi32>], vector<16xf32>,
        %parallel_loop3A_117 = arith.constant 16 : i32
        %parallel_loop3A_118 = arith.muli %parallel_loop3A_109, %parallel_loop3A_117 : i32
        %parallel_loop3A_119 = arith.index_cast %parallel_loop3A_118 : i32 to index
        %parallel_loop3A_120 = tpu.vector_load %arg8[%parallel_loop3A_119] {strides = array<i32>} : memref<4096xf32, #tpu.memory_space<vmem>>, vector<16xf32>,
        tpu.vector_store %arg8[%parallel_loop3A_119], %parallel_loop3A_116 {strides = array<i32>} : memref<4096xf32, #tpu.memory_space<vmem>>, vector<16xf32>,
      } {sc.loop_unroll_factor = 8 : i64, sc.parallel_access}
      %dma_start3A_68 = arith.constant 4096 : i32
      %dma_start3A_69 = tpu.memref_slice %arg4[%shift_right_logical3A_27, %and3A_28, %dma_start3A_68] : memref<26x32x16384xf32, #tpu.memory_space<hbm>> -> memref<1x1x4096xf32, #tpu.memory_space<hbm>>
      %dma_start3A_70 = tpu.memref_squeeze %dma_start3A_69 : memref<1x1x4096xf32, #tpu.memory_space<hbm>> -> memref<4096xf32, #tpu.memory_space<hbm>>
      %dma_start3A_71 = arith.constant 4096 : i32
      %dma_start3A_72 = tpu.memref_slice %arg4[%shift_right_logical3A_27, %and3A_28, %dma_start3A_71] : memref<26x32x16384xf32, #tpu.memory_space<hbm>> -> memref<1x1x4096xf32, #tpu.memory_space<hbm>>
      %dma_start3A_73 = tpu.memref_squeeze %dma_start3A_72 : memref<1x1x4096xf32, #tpu.memory_space<hbm>> -> memref<4096xf32, #tpu.memory_space<hbm>>
      tpu.enqueue_dma source(%arg8 : memref<4096xf32, #tpu.memory_space<vmem>>) target(%dma_start3A_73 : memref<4096xf32, #tpu.memory_space<hbm>>) target_semaphore(%arg10 : memref<!tpu.dma_semaphore, #tpu.memory_space<semaphore_mem>>)
      %dma_wait3A_74 = arith.constant 0 : i32
      %dma_wait3A_75 = arith.constant 0 : i32
      %dma_wait3A_76 = arith.constant 0 : i32
      %dma_wait3A_77 = tpu.memref_slice %arg4[%dma_wait3A_74, %dma_wait3A_75, %dma_wait3A_76] : memref<26x32x16384xf32, #tpu.memory_space<hbm>> -> memref<1x1x4096xf32, #tpu.memory_space<hbm>>
      %dma_wait3A_78 = tpu.memref_squeeze %dma_wait3A_77 : memref<1x1x4096xf32, #tpu.memory_space<hbm>> -> memref<4096xf32, #tpu.memory_space<hbm>>
      %dma_wait3A_79 = arith.constant 0 : i32
      %dma_wait3A_80 = tpu.memref_slice %arg4[%dma_wait3A_74, %dma_wait3A_75, %dma_wait3A_79] : memref<26x32x16384xf32, #tpu.memory_space<hbm>> -> memref<1x1x4096xf32, #tpu.memory_space<hbm>>
      %dma_wait3A_81 = tpu.memref_squeeze %dma_wait3A_80 : memref<1x1x4096xf32, #tpu.memory_space<hbm>> -> memref<4096xf32, #tpu.memory_space<hbm>>
      tpu.wait_dma2 semaphore(%arg9 : memref<!tpu.dma_semaphore, #tpu.memory_space<semaphore_mem>>) src(%arg7 : memref<4096xf32, #tpu.memory_space<vmem>>) dst(%dma_wait3A_81 : memref<4096xf32, #tpu.memory_space<hbm>>)
      %parallel_loop3A_82 = arith.constant 0 : i32
      %parallel_loop3A_83 = arith.constant 256 : i32
      %parallel_loop3A_84 = arith.constant 1 : i32
      scf.for %parallel_loop3A_109 = %parallel_loop3A_82 to %parallel_loop3A_83 step %parallel_loop3A_84  : i32 {
        %parallel_loop3A_110 = arith.constant 16 : i32
        %parallel_loop3A_111 = arith.muli %parallel_loop3A_109, %parallel_loop3A_110 : i32
        %parallel_loop3A_112 = arith.constant 8192 : i32
        %parallel_loop3A_113 = arith.addi %parallel_loop3A_112, %parallel_loop3A_111 : i32
        %parallel_loop3A_114 = arith.index_cast %parallel_loop3A_113 : i32 to index
        %parallel_loop3A_115 = tpu.vector_load %arg5[%parallel_loop3A_114] {strides = array<i32>} : memref<16384xi32, #tpu.memory_space<vmem>>, vector<16xi32>,
        %parallel_loop3A_116 = tpu.vector_load_idx %arg6[%parallel_loop3A_115] : memref<100001xf32, #tpu.memory_space<vmem>>[vector<16xi32>], vector<16xf32>,
        %parallel_loop3A_117 = arith.constant 16 : i32
        %parallel_loop3A_118 = arith.muli %parallel_loop3A_109, %parallel_loop3A_117 : i32
        %parallel_loop3A_119 = arith.index_cast %parallel_loop3A_118 : i32 to index
        %parallel_loop3A_120 = tpu.vector_load %arg7[%parallel_loop3A_119] {strides = array<i32>} : memref<4096xf32, #tpu.memory_space<vmem>>, vector<16xf32>,
        tpu.vector_store %arg7[%parallel_loop3A_119], %parallel_loop3A_116 {strides = array<i32>} : memref<4096xf32, #tpu.memory_space<vmem>>, vector<16xf32>,
      } {sc.loop_unroll_factor = 8 : i64, sc.parallel_access}
      %dma_start3A_85 = arith.constant 8192 : i32
      %dma_start3A_86 = tpu.memref_slice %arg4[%shift_right_logical3A_27, %and3A_28, %dma_start3A_85] : memref<26x32x16384xf32, #tpu.memory_space<hbm>> -> memref<1x1x4096xf32, #tpu.memory_space<hbm>>
      %dma_start3A_87 = tpu.memref_squeeze %dma_start3A_86 : memref<1x1x4096xf32, #tpu.memory_space<hbm>> -> memref<4096xf32, #tpu.memory_space<hbm>>
      %dma_start3A_88 = arith.constant 8192 : i32
      %dma_start3A_89 = tpu.memref_slice %arg4[%shift_right_logical3A_27, %and3A_28, %dma_start3A_88] : memref<26x32x16384xf32, #tpu.memory_space<hbm>> -> memref<1x1x4096xf32, #tpu.memory_space<hbm>>
      %dma_start3A_90 = tpu.memref_squeeze %dma_start3A_89 : memref<1x1x4096xf32, #tpu.memory_space<hbm>> -> memref<4096xf32, #tpu.memory_space<hbm>>
      tpu.enqueue_dma source(%arg7 : memref<4096xf32, #tpu.memory_space<vmem>>) target(%dma_start3A_90 : memref<4096xf32, #tpu.memory_space<hbm>>) target_semaphore(%arg9 : memref<!tpu.dma_semaphore, #tpu.memory_space<semaphore_mem>>)
      %dma_wait3A_91 = arith.constant 0 : i32
      %dma_wait3A_92 = arith.constant 0 : i32
      %dma_wait3A_93 = arith.constant 0 : i32
      %dma_wait3A_94 = tpu.memref_slice %arg4[%dma_wait3A_91, %dma_wait3A_92, %dma_wait3A_93] : memref<26x32x16384xf32, #tpu.memory_space<hbm>> -> memref<1x1x4096xf32, #tpu.memory_space<hbm>>
      %dma_wait3A_95 = tpu.memref_squeeze %dma_wait3A_94 : memref<1x1x4096xf32, #tpu.memory_space<hbm>> -> memref<4096xf32, #tpu.memory_space<hbm>>
      %dma_wait3A_96 = arith.constant 0 : i32
      %dma_wait3A_97 = tpu.memref_slice %arg4[%dma_wait3A_91, %dma_wait3A_92, %dma_wait3A_96] : memref<26x32x16384xf32, #tpu.memory_space<hbm>> -> memref<1x1x4096xf32, #tpu.memory_space<hbm>>
      %dma_wait3A_98 = tpu.memref_squeeze %dma_wait3A_97 : memref<1x1x4096xf32, #tpu.memory_space<hbm>> -> memref<4096xf32, #tpu.memory_space<hbm>>
      tpu.wait_dma2 semaphore(%arg10 : memref<!tpu.dma_semaphore, #tpu.memory_space<semaphore_mem>>) src(%arg8 : memref<4096xf32, #tpu.memory_space<vmem>>) dst(%dma_wait3A_98 : memref<4096xf32, #tpu.memory_space<hbm>>)
      %parallel_loop3A_99 = arith.constant 0 : i32
      %parallel_loop3A_100 = arith.constant 256 : i32
      %parallel_loop3A_101 = arith.constant 1 : i32
      scf.for %parallel_loop3A_109 = %parallel_loop3A_99 to %parallel_loop3A_100 step %parallel_loop3A_101  : i32 {
        %parallel_loop3A_110 = arith.constant 16 : i32
        %parallel_loop3A_111 = arith.muli %parallel_loop3A_109, %parallel_loop3A_110 : i32
        %parallel_loop3A_112 = arith.constant 12288 : i32
        %parallel_loop3A_113 = arith.addi %parallel_loop3A_112, %parallel_loop3A_111 : i32
        %parallel_loop3A_114 = arith.index_cast %parallel_loop3A_113 : i32 to index
        %parallel_loop3A_115 = tpu.vector_load %arg5[%parallel_loop3A_114] {strides = array<i32>} : memref<16384xi32, #tpu.memory_space<vmem>>, vector<16xi32>,
        %parallel_loop3A_116 = tpu.vector_load_idx %arg6[%parallel_loop3A_115] : memref<100001xf32, #tpu.memory_space<vmem>>[vector<16xi32>], vector<16xf32>,
        %parallel_loop3A_117 = arith.constant 16 : i32
        %parallel_loop3A_118 = arith.muli %parallel_loop3A_109, %parallel_loop3A_117 : i32
        %parallel_loop3A_119 = arith.index_cast %parallel_loop3A_118 : i32 to index
        %parallel_loop3A_120 = tpu.vector_load %arg8[%parallel_loop3A_119] {strides = array<i32>} : memref<4096xf32, #tpu.memory_space<vmem>>, vector<16xf32>,
        tpu.vector_store %arg8[%parallel_loop3A_119], %parallel_loop3A_116 {strides = array<i32>} : memref<4096xf32, #tpu.memory_space<vmem>>, vector<16xf32>,
      } {sc.loop_unroll_factor = 8 : i64, sc.parallel_access}
      %dma_start3A_102 = arith.constant 12288 : i32
      %dma_start3A_103 = tpu.memref_slice %arg4[%shift_right_logical3A_27, %and3A_28, %dma_start3A_102] : memref<26x32x16384xf32, #tpu.memory_space<hbm>> -> memref<1x1x4096xf32, #tpu.memory_space<hbm>>
      %dma_start3A_104 = tpu.memref_squeeze %dma_start3A_103 : memref<1x1x4096xf32, #tpu.memory_space<hbm>> -> memref<4096xf32, #tpu.memory_space<hbm>>
      %dma_start3A_105 = arith.constant 12288 : i32
      %dma_start3A_106 = tpu.memref_slice %arg4[%shift_right_logical3A_27, %and3A_28, %dma_start3A_105] : memref<26x32x16384xf32, #tpu.memory_space<hbm>> -> memref<1x1x4096xf32, #tpu.memory_space<hbm>>
      %dma_start3A_107 = tpu.memref_squeeze %dma_start3A_106 : memref<1x1x4096xf32, #tpu.memory_space<hbm>> -> memref<4096xf32, #tpu.memory_space<hbm>>
      tpu.enqueue_dma source(%arg8 : memref<4096xf32, #tpu.memory_space<vmem>>) target(%dma_start3A_107 : memref<4096xf32, #tpu.memory_space<hbm>>) target_semaphore(%arg10 : memref<!tpu.dma_semaphore, #tpu.memory_space<semaphore_mem>>)
      %scan3A_108 = arith.constant 0 : i32
      scf.yield %scan3A_108 : i32
    }
    %scan3A_8 = arith.constant 26 : i32
    %dma_wait3A = arith.constant 0 : i32
    %dma_wait3A_9 = arith.constant 0 : i32
    %dma_wait3A_10 = arith.constant 0 : i32
    %dma_wait3A_11 = tpu.memref_slice %arg4[%dma_wait3A, %dma_wait3A_9, %dma_wait3A_10] : memref<26x32x16384xf32, #tpu.memory_space<hbm>> -> memref<1x1x4096xf32, #tpu.memory_space<hbm>>
    %dma_wait3A_12 = tpu.memref_squeeze %dma_wait3A_11 : memref<1x1x4096xf32, #tpu.memory_space<hbm>> -> memref<4096xf32, #tpu.memory_space<hbm>>
    %dma_wait3A_13 = arith.constant 0 : i32
    %dma_wait3A_14 = tpu.memref_slice %arg4[%dma_wait3A, %dma_wait3A_9, %dma_wait3A_13] : memref<26x32x16384xf32, #tpu.memory_space<hbm>> -> memref<1x1x4096xf32, #tpu.memory_space<hbm>>
    %dma_wait3A_15 = tpu.memref_squeeze %dma_wait3A_14 : memref<1x1x4096xf32, #tpu.memory_space<hbm>> -> memref<4096xf32, #tpu.memory_space<hbm>>
    tpu.wait_dma2 semaphore(%arg9 : memref<!tpu.dma_semaphore, #tpu.memory_space<semaphore_mem>>) src(%arg7 : memref<4096xf32, #tpu.memory_space<vmem>>) dst(%dma_wait3A_15 : memref<4096xf32, #tpu.memory_space<hbm>>)
    %dma_wait3A_16 = arith.constant 0 : i32
    %dma_wait3A_17 = arith.constant 0 : i32
    %dma_wait3A_18 = arith.constant 0 : i32
    %dma_wait3A_19 = tpu.memref_slice %arg4[%dma_wait3A_16, %dma_wait3A_17, %dma_wait3A_18] : memref<26x32x16384xf32, #tpu.memory_space<hbm>> -> memref<1x1x4096xf32, #tpu.memory_space<hbm>>
    %dma_wait3A_20 = tpu.memref_squeeze %dma_wait3A_19 : memref<1x1x4096xf32, #tpu.memory_space<hbm>> -> memref<4096xf32, #tpu.memory_space<hbm>>
    %dma_wait3A_21 = arith.constant 0 : i32
    %dma_wait3A_22 = tpu.memref_slice %arg4[%dma_wait3A_16, %dma_wait3A_17, %dma_wait3A_21] : memref<26x32x16384xf32, #tpu.memory_space<hbm>> -> memref<1x1x4096xf32, #tpu.memory_space<hbm>>
    %dma_wait3A_23 = tpu.memref_squeeze %dma_wait3A_22 : memref<1x1x4096xf32, #tpu.memory_space<hbm>> -> memref<4096xf32, #tpu.memory_space<hbm>>
    tpu.wait_dma2 semaphore(%arg10 : memref<!tpu.dma_semaphore, #tpu.memory_space<semaphore_mem>>) src(%arg8 : memref<4096xf32, #tpu.memory_space<vmem>>) dst(%dma_wait3A_23 : memref<4096xf32, #tpu.memory_space<hbm>>)
    return
  }
}

</mosaic_0001>

<sc_bundles>
// kernel: kernel.3.cloned.1.call-start
scs
__scs_entry_jumppad:
0x0: {  	(pc) =	sbr.rel $0x88, $3  }
0x1: {  	(tag) =	ssettag $0x0;
	lr =	simm.s32 $0x1  }
0x2: {  	[smem:$0x3F9F] =	sst lr;
	_ =	strace $0xD0000000  }
0x3: {  	_ = 	snop  }
0x4: {  	_ = 	snop  }
0x5: {  	_ = 	snop  }
0x6: {  	_ = 	snop  }
0x7: {  	_ = 	snop  }
__scs_overlays_trampoline_lowered:
0x8: {  	[smem:$0x3FAE] =	sst s0  }
0x9: {  	[smem:$0x3FAF] =	sst s1  }
0xa: {  	[smem:$0x3FB0] =	sst s2  }
0xb: {  	[smem:$0x3FB1] =	sst s3  }
0xc: {  	[smem:$0x3FB2] =	sst s4  }
0xd: {  	[smem:$0x3FB3] =	sst s5  }
0xe: {  	[smem:$0x3FB4] =	sst s6  }
0xf: {  	[smem:$0x3FB5] =	sst s7  }
0x10: {  	[smem:$0x3FB6] =	sst s8  }
0x11: {  	[smem:$0x3FB7] =	sst s9;
	s0 =	simm.s32 @!p0 $0x0  }
0x12: {  	s1 =	sld [smem:$0x3F9D];
	s0 =	simm.s32 @p0 $0x1  }
0x13: {  	[smem:$0x3FB8] =	sst s0;
	s0 =	simm.s32 @!p1 $0x0  }
0x14: {  	s2 =	sld [smem:$0x3F9C];
	s0 =	simm.s32 @p1 $0x1  }
0x15: {  	[smem:$0x3FB9] =	sst s0;
	s0 =	simm.s32 @!p2 $0x0  }
0x16: {  	s3 =	sld [smem:$0x3FDB];
	s0 =	simm.s32 @p2 $0x1  }
0x17: {  	s4 =	simm.s32 $0x1BF5;
	[smem:$0x3FBB] =	sst s0  }
0x18: {  	s0 =	sld [smem:$0x3F9E];
	_ =	swait.ge [sflag:s4], $0x0  }
0x19: {  	s7 =	sld [smem:$0x3F9F]  }
0x1a: {  	s8 =	sadd.s32 $0xFFFFE003, lr  }
0x1b: {  	s9 =	sadd.s32 $0xFFFFFEF7, lr;
	s5 =	simm.s32 $0xFFFFFFFF;
	p2 =	slt.u32 s8, $0xFFFFF086  }
0x1c: {  	p1 =	slt.u32 s9, $0xF7A;
	s5 =	simm.s32 @!p2 $0x0  }
0x1d: {  	s5 =	simm.s32 @p1 $0x1;
	p0 =	seq.s32 s7, s2  }
0x1e: {  	s7 =	smul.u32 @!p0 $0xF7A, s2;
	p2 =	seq.s32 @!p0 s5, $0x0  }
0x1f: {  	s9 =	smul.u32 $0xF7A, s1;
	s8 =	simm.s32 @!p0 $0x1BF5;
	p2 =	por !p2, p0  }
0x20: {  	[sflag:s8] =	ssyncset.s32 @!p0 $0xFFFFF086;
	s6 =	sadd.s32 @!p0 s3, s7;
	s7 =	simm.s32 @!p0 $0x108  }
0x21: {  	s3 =	sadd.s32 s3, s9;
	s6 =	sadd.s32 @!p0 $0x88, s6;
	s7 =	simm.s32 @p2 $0x1082  }
0x22: {  	[simem:s7], [sflag:s8] =	dma.local @!p0 [hbm:s6], $0xF7A  }
0x23: {  	s9 =	sor.u32 $0xD0000000, s2;
	s6 =	simm.s32 $0x108;
	_ =	swait.ge @!p0 [sflag:s8], $0x0  }
0x24: {  	s3 =	sadd.s32 $0x88, s3;
	s6 =	simm.s32 @!p1 $0x1082;
	[sflag:s4] =	ssyncset.s32 $0xFFFFF086  }
0x25: {  	[simem:s6], [sflag:s4] =	dma.local [hbm:s3], $0xF7A  }
0x26: {  	[smem:$0x3F9F] =	sst s1;
	(tag) =	ssettag s2;
	_ =	strace s9  }
0x27: {  	s1 =	sld [smem:$0x3FAF]  }
0x28: {  	s2 =	sld [smem:$0x3FB0]  }
0x29: {  	s4 =	sld [smem:$0x3FB2]  }
0x2a: {  	p0 =	seq.s32 s5, $0x0;
	s5 =	sld [smem:$0x3FB3]  }
0x2b: {  	s6 =	sld [smem:$0x3FB4]  }
0x2c: {  	s7 =	sld [smem:$0x3FB5]  }
0x2d: {  	s3 =	simm.s32 $0x108;
	s8 =	sld [smem:$0x3FB6]  }
0x2e: {  	s3 =	simm.s32 @!p0 $0x1082;
	s9 =	sld [smem:$0x3FB7]  }
0x2f: {  	lr =	sadd.s32 s0, s3;
	s0 =	sld [smem:$0x3FAE]  }
0x30: {  	s3 =	sld [smem:$0x3FB1]  }
0x31: {  	[smem:$0x3FBA] =	sst s10  }
0x32: {  	s10 =	sld [smem:$0x3FB8];
	_ =	sdelay $0x3  }
0x33: {  	p0 =	seq.s32 s10, $0x1;
	s10 =	sld [smem:$0x3FBA];
	_ =	sdelay $0x3  }
0x34: {  	[smem:$0x3FBA] =	sst s10  }
0x35: {  	s10 =	sld [smem:$0x3FB9];
	_ =	sdelay $0x3  }
0x36: {  	p1 =	seq.s32 s10, $0x1;
	s10 =	sld [smem:$0x3FBA];
	_ =	sdelay $0x3  }
0x37: {  	[smem:$0x3FBA] =	sst s10  }
0x38: {  	s10 =	sld [smem:$0x3FBB]  }
0x39: {  	_ = 	snop;
	(pc) =	sbr.ind lr, $3  }
0x3a: {  	_ = 	snop  }
0x3b: {  	_ = 	snop  }
0x3c: {  	p2 =	seq.s32 s10, $0x1;
	s10 =	sld [smem:$0x3FBA]  }
0x3d: {  	_ =	shalt  }
0x3e: {  	_ =	shalt  }
0x3f: {  	_ =	shalt  }
0x40: {  	_ =	shalt  }
0x41: {  	_ =	shalt  }
0x42: {  	_ =	shalt  }
0x43: {  	_ =	shalt  }
0x44: {  	_ =	shalt  }
0x45: {  	_ =	shalt  }
0x46: {  	_ =	shalt  }
0x47: {  	_ =	shalt  }
0x48: {  	_ =	shalt  }
0x49: {  	_ =	shalt  }
0x4a: {  	_ =	shalt  }
0x4b: {  	_ =	shalt  }
0x4c: {  	_ =	shalt  }
0x4d: {  	_ =	shalt  }
0x4e: {  	_ =	shalt  }
0x4f: {  	_ =	shalt  }
0x50: {  	_ =	shalt  }
0x51: {  	_ =	shalt  }
0x52: {  	_ =	shalt  }
0x53: {  	_ =	shalt  }
0x54: {  	_ =	shalt  }
0x55: {  	_ =	shalt  }
0x56: {  	_ =	shalt  }
0x57: {  	_ =	shalt  }
0x58: {  	_ =	shalt  }
0x59: {  	_ =	shalt  }
0x5a: {  	_ =	shalt  }
0x5b: {  	_ =	shalt  }
0x5c: {  	_ =	shalt  }
0x5d: {  	_ =	shalt  }
0x5e: {  	_ =	shalt  }
0x5f: {  	_ =	shalt  }
0x60: {  	_ =	shalt  }
0x61: {  	_ =	shalt  }
0x62: {  	_ =	shalt  }
0x63: {  	_ =	shalt  }
0x64: {  	_ =	shalt  }
0x65: {  	_ =	shalt  }
0x66: {  	_ =	shalt  }
0x67: {  	_ =	shalt  }
0x68: {  	_ =	shalt  }
0x69: {  	_ =	shalt  }
0x6a: {  	_ =	shalt  }
0x6b: {  	_ =	shalt  }
0x6c: {  	_ =	shalt  }
0x6d: {  	_ =	shalt  }
0x6e: {  	_ =	shalt  }
0x6f: {  	_ =	shalt  }
0x70: {  	_ =	shalt  }
0x71: {  	_ =	shalt  }
0x72: {  	_ =	shalt  }
0x73: {  	_ =	shalt  }
0x74: {  	_ =	shalt  }
0x75: {  	_ =	shalt  }
0x76: {  	_ =	shalt  }
0x77: {  	_ =	shalt  }
0x78: {  	_ =	shalt  }
0x79: {  	_ =	shalt  }
0x7a: {  	_ =	shalt  }
0x7b: {  	_ =	shalt  }
0x7c: {  	_ =	shalt  }
0x7d: {  	_ =	shalt  }
0x7e: {  	_ =	shalt  }
0x7f: {  	_ =	shalt  }
0x80: {  	_ =	shalt  }
0x81: {  	_ =	shalt  }
0x82: {  	_ =	shalt  }
0x83: {  	_ =	shalt  }
0x84: {  	_ =	shalt  }
0x85: {  	_ =	shalt  }
0x86: {  	_ =	shalt  }
0x87: {  	_ =	shalt  }
.Lfunc_end0:
.L_simem_size_0:
called_computation_lowered:
.L_overlay_start_0:
0x88: {  	s2 =	sld [smem:$0x3FD9]  }
0x89: {  	s3 =	sld [smem:$0x3FFE];
	_ =	sdelay $0x1  }
0x8a: {  	s1 =	srdreg.scid  }
0x8b: {  	s0 =	sand.u32 $0x1, s1  }
0x8c: {  	s18 =	sshll.u32 s0, $0xA;
	s2 =	sadd.s32 s3, s2  }
0x8d: {  	s2 =	sadd.s32 s2, s18  }
0x8e: {  	[smem:$0x3FC6] =	sst s2  }
0x8f: {  	_ = 	snop  }
0x90: {  	s2 =	sld [smem:$0x3FC9]  }
0x91: {  	s19 =	sld [smem:$0x3FC8]  }
0x92: {  	s4 =	sld [smem:$0x3FD0];
	(tm) =	ssettm $0x1  }
0x93: {  	s5 =	sld [smem:$0x3FFB];
	_ =	sdelay $0x3  }
0x94: {  	_ =	strace s5  }
0x95: {  	s5 =	sld [smem:$0x3FFC];
	_ =	sdelay $0x3  }
0x96: {  	_ =	strace s5  }
0x97: {  	s5 =	sld [smem:$0x3FFD];
	_ =	sdelay $0x3  }
0x98: {  	_ =	strace s5  }
0x99: {  	_ =	strace $0x8FFFFFFF  }
0x9a: {  	s20 =	sld [smem:$0x3FDB];
	_ =	sdelay $0x1  }
0x9b: {  	s6 =	simm.s32 $_scs_section_size  }
0x9c: {  	s7 =	simm.s32 $_size__tile_overlayer_lowered;
	s8 =	simm.s32 $_tile_overlayer_lowered  }
0x9d: {  	s23 =	simm.s32 $0x1BFF;
	s22 =	sshll.u32 s8, $0x1;
	s5 =	sadd.s32 s6, s20  }
0x9e: {  	s9 =	simm.s32 $0x0;
	s21 =	sshll.u32 s7, $0x1;
	s7 =	sadd.s32 s22, s5  }
0x9f: {  	[timem:s9], [sflag:s23] =	dma.local [hbm:s7], s21  }
0xa0: {  	_ =	swait.ge [sflag:s23], s21  }
0xa1: {  	s6 =	ssub.s32 $0x0, s21;
	[sflag:s23] =	ssyncset.done $0x0  }
0xa2: {  	[sflag:s23] =	ssyncadd.s32 s6;
	_ =	sdelay $0x1  }
0xa3: {  	s24 =	simm.s32 $0x1B8B  }
0xa4: {  	_ =	swait.ge [sflag:s24], $0x1  }
0xa5: {  	[sflag:s24] =	ssyncset.done $0x0  }
0xa6: {  	s25 =	simm.s32 $0x1B8E;
	[sflag:s24] =	ssyncadd.s32 $0xFFFFFFFF  }
0xa7: {  	s26 =	simm.s32 $execute0_lowered;
	[smem:$0x3FD2] =	sst s25  }
0xa8: {  	s6 =	sshll.u32 s26, $0x1;
	_ =	strace $0x80000046;
	[dreg:$0x1] =	wrdreg $0xFFFFFFFF  }
0xa9: {  	s28 =	simm.s32 $_size_execute0_lowered;
	s5 =	sadd.s32 s5, s6;
	[dreg:$0x0] =	wrdreg $0x0  }
0xaa: {  	s6 =	sshll.u32 s28, $0x1;
	[dreg:$0x2] =	wrdreg s5  }
0xab: {  	[dreg:$0x3] =	wrdreg s6  }
0xac: {  	[dreg:$0x4] =	wrdreg $0xC0  }
0xad: {  	_ =	task [dreg:s9], $0x5FFFF  }
0xae: {  	[dreg:$0x1] =	wrdreg $0xFFFFFFFF  }
0xaf: {  	[dreg:$0x0] =	wrdreg $0x60  }
0xb0: {  	[dreg:$0x2] =	wrdreg s2  }
0xb1: {  	[dreg:$0x3] =	wrdreg s19  }
0xb2: {  	[dreg:$0x4] =	wrdreg s4  }
0xb3: {  	[dreg:$0x5] =	wrdreg $0x9  }
0xb4: {  	_ =	task.clear_ibuf [dreg:s9], $0x6FFFF;
	_ =	strace $0x90000046  }
0xb5: {  	s29 =	simm.s32 $0x9;
	_ =	strace $0x80000048  }
0xb6: {  	_ =	swait.ge [sflag:s29], $0x1  }
0xb7: {  	[sflag:s29] =	ssyncadd.s32 $0xFFFFFFFF  }
0xb8: {  	_ =	strace $0x90000048  }
0xb9: {  	_ =	sfence  }
0xba: {  	s30 =	sld [smem:$0x0];
	_ =	sdelay $0x2  }
0xbb: {  	s31 =	sshll.u32 s1, $0xD;
	s1 =	sshrl.u32 s1, $0x2  }
0xbc: {  	s3 =	sand.u32 $0x4000, s31;
	s1 =	sadd.s32 s1, s30  }
0xbd: {  	s0 =	sor.u32 s3, s0;
	s1 =	sshll.u32 s1, $0x11  }
0xbe: {  	s0 =	sor.u32 s1, s0  }
0xbf: {  	s0 =	sadd.s32 $0x8F2B, s0  }
0xc0: {  	[sflag:s0] =	ssyncadd.remote.s32 $0x1  }
0xc1: {  	_ =	sfence.sel $0xFFFF  }
0xc2: {  	[dreg:$0x0] =	wrdreg $0xFFFFFFFF;
	(pc) =	sbr.abs _section_cstart, $3  }
0xc3: {  	[dreg:$0x1] =	wrdreg $0xFFFFFFFF  }
0xc4: {  	_ =	task.clear_ibuf [dreg:s9], $0x2FFFF;
	_ =	strace $0x9FFFFFFF  }
0xc5: {  	(tm) =	ssettm $0x7FFFFFFF  }
tec
execute0_lowered:
.L_overlay_start_1:
0x0: {  	(tag) =	ssettag $0x1  }
0x1: {  	s1 =	rddreg [dreg:$0x0]  }
0x2: {  	s2 =	rddreg [dreg:$0x1]  }
0x3: {  	s3 =	rddreg [dreg:$0x2]  }
0x4: {  	s4 =	srdreg.scid;
	s0 =	rddreg [dreg:$0x3];
	s5 =	simm.s32 $0x0  }
0x5: {  	s11 =	simm.s32 $0x80;
	s12 =	simm.s32 $0x400;
	s13 =	simm.s32 $0x4000  }
0x6: {  	s14 =	simm.s32 $0x4;
	s15 =	simm.s32 $0x3;
	s16 =	simm.s32 $0x1C700  }
0x7: {  	s17 =	simm.s32 $0x1D700;
	s18 =	simm.s32 $0x1;
	s19 =	simm.s32 $0x2  }
0x8: {  	s20 =	simm.s32 $0x0;
	s6 =	sand.u32 $0x1, s4;
	[smem:$0x7FF] =	sst s5  }
0x9: {  	s4 =	stileid.u32;
	s7 =	ssub.s32 $0x2, s6;
	s6 =	sshll.u32 s6, $0x4  }
0xa: {  	s9 =	sadd.s32 $0x3000, s3;
	s8 =	sshrl.u32 s7, $0x1;
	s6 =	sor.u32 s4, s6  }
0xb: {  	_ =	strace $0x80000047;
	s10 =	ssub.s32 s7, s8;
	s6 =	smul.u32 $0x1A, s6  }
0xc: {  	s7 =	sadd.s32 $0x1000, s3;
	s8 =	sadd.s32 $0x2000, s3;
	s10 =	smax.u32 s10, $0x1  }
.LBB2_1:
0xd: {  	s21 =	simm.s32 $0x0  }
.LBB2_2:
0xe: {  	s25 =	sadd.s32 s6, s21  }
0xf: {  	s22 =	sshrl.u32 s25, $0x5;
	s26 =	sand.u32 $0x1F, s25  }
0x10: {  	p0 =	seq.s32 s21, $0x0;
	s23 =	sshrl.u32 s26, $0x3;
	s28 =	smul.u32 $0x30E000, s22  }
0x11: {  	p1 =	seq.s32 @!p0 s26, $0x0;
	s29 =	smul.u32 $0xC3800, s23  }
0x12: {  	s24 =	sshll.u32 s25, $0x7;
	p1 =	por p0, p1  }
.Ltmp0:
0x13: {  	s24 =	sand.u32 $0x380, s24;
	s28 =	sadd.s32 s28, s29;
	(pc) =	sbr.rel @p1 .LBB2_4-.Ltmp0, $4  }
0x14: {  	s28 =	sor.u32 s24, s28  }
0x15: {  	s28 =	sshrl.u32 s28, $0x3  }
0x16: {  	s28 =	sadd.s32 s2, s28  }
0x17: {  	[tilespmem:s13], [sflag:$0x3] =	stream.strided.gather [hbm4b:s28+s11], $0x18700, s12, s11, $0x38;
	[tilespmem:$0x1E700] =	vst v63  }
.Ltmp1:
0x18: {  	(pc) =	sbr.rel .LBB2_7-.Ltmp1, $4  }
0x19: {  	_ = 	snop  }
0x1a: {  	_ =	swait.ge [sflag:s15], $0x18700  }
0x1b: {  	[sflag:s15] =	ssyncset.done $0x0  }
0x1c: {  	[sflag:s15] =	ssyncadd.s32 $0xFFFE7900  }
.LBB2_4:
0x1d: {  	s25 =	sshll.u32 s25, $0x6  }
0x1e: {  	s26 =	sshll.u32 s22, $0x4;
	s25 =	sand.u32 $0xFFFC000, s25  }
0x1f: {  	s26 =	sand.u32 $0x70, s26;
	s25 =	sadd.s32 s1, s25  }
0x20: {  	s25 =	sadd.s32 s26, s25  }
0x21: {  	[tilespmem:s5], [sflag:$0x4] =	stream.strided.gather [hbm4b:s25+s11], $0x4000, s12, s11, $0x38;
	[tilespmem:$0x1E700] =	vst v63  }
0x22: {  	_ =	swait.ge [sflag:s14], $0x4000  }
0x23: {  	[sflag:s14] =	ssyncset.done $0x0  }
0x24: {  	s25 =	simm.s32 $0x40;
	[sflag:s14] =	ssyncadd.s32 $0xFFFFC000  }
0x25: {  	v2 =	vld [tilespmem:s25+$0x30]  }
0x26: {  	v6 =	vld [tilespmem:s25+$0xFFFFFFD0]  }
0x27: {  	v5 =	vld [tilespmem:s25+$0xFFFFFFE0]  }
0x28: {  	v4 =	vld [tilespmem:s25+$0xFFFFFFF0]  }
0x29: {  	v3 =	vld [tilespmem:s25+$0x0]  }
0x2a: {  	v1 =	vld [tilespmem:s25+$0x10];
	vm0 =	vgt.s32 v2, $0x0  }
0x2b: {  	v0 =	vld [tilespmem:s25+$0x20];
	vm1 =	vgt.s32 v6, $0x0;
	v8 =	vnsel vm0, $0x0, v2  }
0x2c: {  	s28 =	simm.s32 $0xC0;
	s26 =	simm.s32 $0x0;
	v2 =	vld [tilespmem:s25+$0xFFFFFFC0];
	v7 =	vnsel vm1, $0x0, v6;
	vm0 =	vgt.s32 v5, $0x0;
	v6 =	vmin.u32 v8, $0x186A0  }
.LBB2_5:
0x2d: {  	v8 =	vld [tilespmem:s28+$0x30];
	s26 =	sadd.s32 $0x8, s26;
	v7 =	vmin.u32 v7, $0x186A0;
	v5 =	vnsel vm0, $0x0, v5;
	vm0 =	vgt.s32 v4, $0x0;
	[tilespmem:s25+$0x30] =	vst v6  }
0x2e: {  	v6 =	vld [tilespmem:s28+$0xFFFFFFD0];
	p1 =	slt.u32 s26, $0x3F8;
	[tilespmem:s25+$0xFFFFFFD0] =	vst v7;
	v7 =	vmin.u32 v5, $0x186A0;
	v4 =	vnsel vm0, $0x0, v4;
	vm0 =	vgt.s32 v3, $0x0  }
0x2f: {  	v5 =	vld [tilespmem:s28+$0xFFFFFFE0];
	[tilespmem:s25+$0xFFFFFFE0] =	vst v7;
	v7 =	vmin.u32 v4, $0x186A0;
	v3 =	vnsel vm0, $0x0, v3;
	vm0 =	vgt.s32 v1, $0x0  }
.Ltmp2:
0x30: {  	v4 =	vld [tilespmem:s28+$0xFFFFFFF0];
	[tilespmem:s25+$0xFFFFFFF0] =	vst v7;
	v7 =	vmin.u32 v3, $0x186A0;
	v1 =	vnsel vm0, $0x0, v1;
	vm0 =	vgt.s32 v0, $0x0;
	(pc) =	sbr.rel @p1 .LBB2_5-.Ltmp2, $4  }
0x31: {  	v3 =	vld [tilespmem:s28+$0x0];
	vm1 =	vgt.s32 v2, $0x0;
	[tilespmem:s25+$0x0] =	vst v7;
	v7 =	vmin.u32 v1, $0x186A0;
	v0 =	vnsel vm0, $0x0, v0  }
0x32: {  	v1 =	vld [tilespmem:s28+$0x10];
	vm0 =	vgt.s32 v8, $0x0;
	v2 =	vnsel vm1, $0x0, v2;
	[tilespmem:s25+$0x10] =	vst v7;
	v7 =	vmin.u32 v0, $0x186A0  }
0x33: {  	vm1 =	vgt.s32 v6, $0x0;
	v0 =	vld [tilespmem:s28+$0x20];
	v8 =	vnsel vm0, $0x0, v8;
	v9 =	vmin.u32 v2, $0x186A0;
	[tilespmem:s25+$0x20] =	vst v7  }
0x34: {  	v2 =	vld [tilespmem:s28+$0xFFFFFFC0];
	v7 =	vnsel vm1, $0x0, v6;
	vm0 =	vgt.s32 v5, $0x0;
	v6 =	vmin.u32 v8, $0x186A0;
	[tilespmem:s25+$0xFFFFFFC0] =	vst v9;
	s25 =	smov.u32 s28;
	s28 =	sadd.s32 $0x80, s28  }
0x35: {  	v7 =	vmin.u32 v7, $0x186A0;
	v5 =	vnsel vm0, $0x0, v5;
	vm12 =	vgt.s32 v4, $0x0;
	[tilespmem:s25+$0x30] =	vst v6  }
0x36: {  	[tilespmem:s25+$0xFFFFFFD0] =	vst v7;
	v5 =	vmin.u32 v5, $0x186A0;
	v4 =	vnsel vm12, $0x0, v4;
	vm13 =	vgt.s32 v3, $0x0  }
0x37: {  	[tilespmem:s25+$0xFFFFFFE0] =	vst v5;
	v4 =	vmin.u32 v4, $0x186A0;
	v3 =	vnsel vm13, $0x0, v3;
	vm14 =	vgt.s32 v1, $0x0  }
0x38: {  	[tilespmem:s25+$0xFFFFFFF0] =	vst v4;
	v3 =	vmin.u32 v3, $0x186A0;
	v1 =	vnsel vm14, $0x0, v1;
	vm15 =	vgt.s32 v0, $0x0  }
0x39: {  	vm1 =	vgt.s32 v2, $0x0;
	[tilespmem:s25+$0x0] =	vst v3;
	v1 =	vmin.u32 v1, $0x186A0;
	v0 =	vnsel vm15, $0x0, v0  }
0x3a: {  	v2 =	vnsel vm1, $0x0, v2;
	[tilespmem:s25+$0x10] =	vst v1;
	v0 =	vmin.u32 v0, $0x186A0  }
.Ltmp3:
0x3b: {  	v63 =	vmin.u32 v2, $0x186A0;
	[tilespmem:s25+$0x20] =	vst v0;
	(pc) =	sbr.rel @p0 .LBB2_8-.Ltmp3, $4  }
0x3c: {  	[tilespmem:s25+$0xFFFFFFC0] =	vst v63  }
0x3d: {  	_ =	swait.ge [sflag:s15], $0x18700  }
0x3e: {  	[sflag:s15] =	ssyncset.done $0x0  }
0x3f: {  	[sflag:s15] =	ssyncadd.s32 $0xFFFE7900  }
.LBB2_7:
0x40: {  	_ =	swait.ge [sflag:s18], $0x1000  }
0x41: {  	[sflag:s18] =	ssyncset.done $0x0  }
0x42: {  	[sflag:s18] =	ssyncadd.s32 $0xFFFFF000  }
.LBB2_8:
0x43: {  	s25 =	simm.s32 $0x40  }
0x44: {  	v0 =	vld [tilespmem:s25+$0x30]  }
0x45: {  	v1 =	vld [tilespmem:s25+$0xFFFFFFD0]  }
0x46: {  	v2 =	vld [tilespmem:s25+$0xFFFFFFE0]  }
0x47: {  	v3 =	vld [tilespmem:s25+$0xFFFFFFF0]  }
0x48: {  	v6 =	vld [tilespmem:s25+$0x0]  }
0x49: {  	v7 =	vld [tilespmem:s25+$0x10]  }
0x4a: {  	v8 =	vld [tilespmem:s25+$0x20]  }
0x4b: {  	v9 =	vld [tilespmem:s25+$0xFFFFFFC0]  }
0x4c: {  	v10 =	vld.idx.msk [tilespmem:v0+s13+$0x0], $0xffff  }
0x4d: {  	v11 =	vld.idx.msk [tilespmem:v1+s13+$0x0], $0xffff  }
0x4e: {  	v5 =	vld.idx.msk [tilespmem:v2+s13+$0x0], $0xffff  }
0x4f: {  	v4 =	vld.idx.msk [tilespmem:v3+s13+$0x0], $0xffff  }
0x50: {  	v3 =	vld.idx.msk [tilespmem:v6+s13+$0x0], $0xffff  }
0x51: {  	s25 =	simm.s32 $0x1C740;
	v1 =	vld.idx.msk [tilespmem:v7+s13+$0x0], $0xffff  }
0x52: {  	v0 =	vld.idx.msk [tilespmem:v8+s13+$0x0], $0xffff;
	[tilespmem:s25+$0x30] =	vst v10  }
0x53: {  	s26 =	simm.s32 $0x0;
	s28 =	simm.s32 $0xC0;
	v2 =	vld.idx.msk [tilespmem:v9+s13+$0x0], $0xffff;
	[tilespmem:s25+$0xFFFFFFD0] =	vst v11  }
.LBB2_9:
0x54: {  	v6 =	vld [tilespmem:s28+$0x30];
	s26 =	sadd.s32 $0x8, s26;
	[tilespmem:s25+$0xFFFFFFE0] =	vst v5  }
0x55: {  	v5 =	vld [tilespmem:s28+$0xFFFFFFD0];
	p1 =	slt.u32 s26, $0xF8;
	[tilespmem:s25+$0xFFFFFFF0] =	vst v4  }
0x56: {  	v4 =	vld [tilespmem:s28+$0xFFFFFFE0];
	[tilespmem:s25+$0x0] =	vst v3  }
0x57: {  	v3 =	vld [tilespmem:s28+$0xFFFFFFF0];
	[tilespmem:s25+$0x10] =	vst v1  }
0x58: {  	v1 =	vld [tilespmem:s28+$0x0];
	[tilespmem:s25+$0x20] =	vst v0  }
0x59: {  	v0 =	vld [tilespmem:s28+$0x10];
	[tilespmem:s25+$0xFFFFFFC0] =	vst v2  }
0x5a: {  	v2 =	vld [tilespmem:s28+$0x20]  }
0x5b: {  	v7 =	vld [tilespmem:s28+$0xFFFFFFC0]  }
0x5c: {  	v6 =	vld.idx.msk [tilespmem:v6+s13+$0x0], $0xffff  }
0x5d: {  	v8 =	vld.idx.msk [tilespmem:v5+s13+$0x0], $0xffff  }
0x5e: {  	v5 =	vld.idx.msk [tilespmem:v4+s13+$0x0], $0xffff  }
.Ltmp4:
0x5f: {  	v4 =	vld.idx.msk [tilespmem:v3+s13+$0x0], $0xffff;
	(pc) =	sbr.rel @p1 .LBB2_9-.Ltmp4, $4  }
0x60: {  	v3 =	vld.idx.msk [tilespmem:v1+s13+$0x0], $0xffff  }
0x61: {  	s25 =	sadd.s32 $0x80, s25;
	v1 =	vld.idx.msk [tilespmem:v0+s13+$0x0], $0xffff  }
0x62: {  	v0 =	vld.idx.msk [tilespmem:v2+s13+$0x0], $0xffff;
	[tilespmem:s25+$0x30] =	vst v6  }
0x63: {  	s28 =	sadd.s32 $0x80, s28;
	v2 =	vld.idx.msk [tilespmem:v7+s13+$0x0], $0xffff;
	[tilespmem:s25+$0xFFFFFFD0] =	vst v8  }
0x64: {  	[tilespmem:s25+$0xFFFFFFE0] =	vst v5  }
0x65: {  	[tilespmem:s25+$0xFFFFFFF0] =	vst v4;
	s22 =	sshll.u32 s22, $0x13;
	s23 =	sshll.u32 s23, $0x11  }
0x66: {  	[tilespmem:s25+$0x0] =	vst v3;
	s22 =	sor.u32 s22, s23  }
0x67: {  	[tilespmem:s25+$0x10] =	vst v1;
	s22 =	sor.u32 s24, s22  }
0x68: {  	[tilespmem:s25+$0x20] =	vst v0;
	s22 =	sshrl.u32 s22, $0x3  }
0x69: {  	s23 =	simm.s32 @!p0 $0x2;
	[tilespmem:s25+$0xFFFFFFC0] =	vst v2;
	s30 =	sadd.s32 s3, s22  }
0x6a: {  	[hbm4b:s30+s11] =	stream.strided.scatter [tilespmem:s16], [sflag:$0x1], $0x1000, s12, s11, $0x38;
	[tilespmem:$0x1E700] =	vst v63  }
0x6b: {  	_ =	swait.ge @!p0 [sflag:s23], $0x1000  }
0x6c: {  	[sflag:s23] =	ssyncset.done @!p0 $0x0  }
0x6d: {  	s31 =	simm.s32 $0x1070;
	[sflag:s23] =	ssyncadd.s32 @!p0 $0xFFFFF000  }
0x6e: {  	v0 =	vld [tilespmem:s31+$0x0]  }
0x6f: {  	v1 =	vld [tilespmem:s31+$0xFFFFFFA0]  }
0x70: {  	v2 =	vld [tilespmem:s31+$0xFFFFFFB0]  }
0x71: {  	v3 =	vld [tilespmem:s31+$0xFFFFFFC0]  }
0x72: {  	v4 =	vld [tilespmem:s31+$0xFFFFFFD0]  }
0x73: {  	v6 =	vld [tilespmem:s31+$0xFFFFFFE0]  }
0x74: {  	v7 =	vld [tilespmem:s31+$0xFFFFFFF0]  }
0x75: {  	v8 =	vld [tilespmem:s31+$0xFFFFFF90]  }
0x76: {  	v9 =	vld.idx.msk [tilespmem:v0+s13+$0x0], $0xffff  }
0x77: {  	v10 =	vld.idx.msk [tilespmem:v1+s13+$0x0], $0xffff  }
0x78: {  	v5 =	vld.idx.msk [tilespmem:v2+s13+$0x0], $0xffff  }
0x79: {  	v3 =	vld.idx.msk [tilespmem:v3+s13+$0x0], $0xffff  }
0x7a: {  	v0 =	vld.idx.msk [tilespmem:v4+s13+$0x0], $0xffff  }
0x7b: {  	s23 =	simm.s32 $0x1D740;
	v1 =	vld.idx.msk [tilespmem:v6+s13+$0x0], $0xffff  }
0x7c: {  	v2 =	vld.idx.msk [tilespmem:v7+s13+$0x0], $0xffff;
	[tilespmem:s23+$0x30] =	vst v9  }
0x7d: {  	s24 =	simm.s32 $0x0;
	s25 =	simm.s32 $0x10F0;
	v4 =	vld.idx.msk [tilespmem:v8+s13+$0x0], $0xffff;
	[tilespmem:s23+$0xFFFFFFD0] =	vst v10  }
.LBB2_11:
0x7e: {  	v6 =	vld [tilespmem:s25+$0x0];
	s24 =	sadd.s32 $0x8, s24;
	[tilespmem:s23+$0xFFFFFFE0] =	vst v5  }
0x7f: {  	v5 =	vld [tilespmem:s25+$0xFFFFFFA0];
	p0 =	slt.u32 s24, $0xF8;
	[tilespmem:s23+$0xFFFFFFF0] =	vst v3  }
0x80: {  	v3 =	vld [tilespmem:s25+$0xFFFFFFB0];
	[tilespmem:s23+$0x0] =	vst v0  }
0x81: {  	v0 =	vld [tilespmem:s25+$0xFFFFFFC0];
	[tilespmem:s23+$0x10] =	vst v1  }
0x82: {  	v1 =	vld [tilespmem:s25+$0xFFFFFFD0];
	[tilespmem:s23+$0x20] =	vst v2  }
0x83: {  	v2 =	vld [tilespmem:s25+$0xFFFFFFE0];
	[tilespmem:s23+$0xFFFFFFC0] =	vst v4  }
0x84: {  	v4 =	vld [tilespmem:s25+$0xFFFFFFF0]  }
0x85: {  	v7 =	vld [tilespmem:s25+$0xFFFFFF90]  }
0x86: {  	v6 =	vld.idx.msk [tilespmem:v6+s13+$0x0], $0xffff  }
0x87: {  	v8 =	vld.idx.msk [tilespmem:v5+s13+$0x0], $0xffff  }
0x88: {  	v5 =	vld.idx.msk [tilespmem:v3+s13+$0x0], $0xffff  }
.Ltmp5:
0x89: {  	v3 =	vld.idx.msk [tilespmem:v0+s13+$0x0], $0xffff;
	(pc) =	sbr.rel @p0 .LBB2_11-.Ltmp5, $4  }
0x8a: {  	v0 =	vld.idx.msk [tilespmem:v1+s13+$0x0], $0xffff  }
0x8b: {  	s23 =	sadd.s32 $0x80, s23;
	v1 =	vld.idx.msk [tilespmem:v2+s13+$0x0], $0xffff  }
0x8c: {  	v2 =	vld.idx.msk [tilespmem:v4+s13+$0x0], $0xffff;
	[tilespmem:s23+$0x30] =	vst v6  }
0x8d: {  	s25 =	sadd.s32 $0x80, s25;
	v4 =	vld.idx.msk [tilespmem:v7+s13+$0x0], $0xffff;
	[tilespmem:s23+$0xFFFFFFD0] =	vst v8  }
0x8e: {  	[tilespmem:s23+$0xFFFFFFE0] =	vst v5  }
0x8f: {  	[tilespmem:s23+$0xFFFFFFF0] =	vst v3  }
0x90: {  	[tilespmem:s23+$0x0] =	vst v0  }
0x91: {  	[tilespmem:s23+$0x10] =	vst v1  }
0x92: {  	[tilespmem:s23+$0x20] =	vst v2  }
0x93: {  	s30 =	sadd.s32 s22, s7;
	[tilespmem:s23+$0xFFFFFFC0] =	vst v4  }
0x94: {  	[hbm4b:s30+s11] =	stream.strided.scatter [tilespmem:s17], [sflag:$0x2], $0x1000, s12, s11, $0x38;
	[tilespmem:$0x1E700] =	vst v63  }
0x95: {  	_ =	swait.ge [sflag:s18], $0x1000  }
0x96: {  	[sflag:s18] =	ssyncset.done $0x0  }
0x97: {  	s31 =	simm.s32 $0x2070;
	[sflag:s18] =	ssyncadd.s32 $0xFFFFF000  }
0x98: {  	v0 =	vld [tilespmem:s31+$0x0]  }
0x99: {  	v1 =	vld [tilespmem:s31+$0xFFFFFFA0]  }
0x9a: {  	v2 =	vld [tilespmem:s31+$0xFFFFFFB0]  }
0x9b: {  	v3 =	vld [tilespmem:s31+$0xFFFFFFC0]  }
0x9c: {  	v4 =	vld [tilespmem:s31+$0xFFFFFFD0]  }
0x9d: {  	v6 =	vld [tilespmem:s31+$0xFFFFFFE0]  }
0x9e: {  	v7 =	vld [tilespmem:s31+$0xFFFFFFF0]  }
0x9f: {  	v8 =	vld [tilespmem:s31+$0xFFFFFF90]  }
0xa0: {  	v9 =	vld.idx.msk [tilespmem:v0+s13+$0x0], $0xffff  }
0xa1: {  	v10 =	vld.idx.msk [tilespmem:v1+s13+$0x0], $0xffff  }
0xa2: {  	v5 =	vld.idx.msk [tilespmem:v2+s13+$0x0], $0xffff  }
0xa3: {  	v3 =	vld.idx.msk [tilespmem:v3+s13+$0x0], $0xffff  }
0xa4: {  	v0 =	vld.idx.msk [tilespmem:v4+s13+$0x0], $0xffff  }
0xa5: {  	s23 =	simm.s32 $0x1C740;
	v1 =	vld.idx.msk [tilespmem:v6+s13+$0x0], $0xffff  }
0xa6: {  	v2 =	vld.idx.msk [tilespmem:v7+s13+$0x0], $0xffff;
	[tilespmem:s23+$0x30] =	vst v9  }
0xa7: {  	s24 =	simm.s32 $0x0;
	s25 =	simm.s32 $0x20F0;
	v4 =	vld.idx.msk [tilespmem:v8+s13+$0x0], $0xffff;
	[tilespmem:s23+$0xFFFFFFD0] =	vst v10  }
.LBB2_13:
0xa8: {  	v6 =	vld [tilespmem:s25+$0x0];
	s24 =	sadd.s32 $0x8, s24;
	[tilespmem:s23+$0xFFFFFFE0] =	vst v5  }
0xa9: {  	v5 =	vld [tilespmem:s25+$0xFFFFFFA0];
	p0 =	slt.u32 s24, $0xF8;
	[tilespmem:s23+$0xFFFFFFF0] =	vst v3  }
0xaa: {  	v3 =	vld [tilespmem:s25+$0xFFFFFFB0];
	[tilespmem:s23+$0x0] =	vst v0  }
0xab: {  	v0 =	vld [tilespmem:s25+$0xFFFFFFC0];
	[tilespmem:s23+$0x10] =	vst v1  }
0xac: {  	v1 =	vld [tilespmem:s25+$0xFFFFFFD0];
	[tilespmem:s23+$0x20] =	vst v2  }
0xad: {  	v2 =	vld [tilespmem:s25+$0xFFFFFFE0];
	[tilespmem:s23+$0xFFFFFFC0] =	vst v4  }
0xae: {  	v4 =	vld [tilespmem:s25+$0xFFFFFFF0]  }
0xaf: {  	v7 =	vld [tilespmem:s25+$0xFFFFFF90]  }
0xb0: {  	v6 =	vld.idx.msk [tilespmem:v6+s13+$0x0], $0xffff  }
0xb1: {  	v8 =	vld.idx.msk [tilespmem:v5+s13+$0x0], $0xffff  }
0xb2: {  	v5 =	vld.idx.msk [tilespmem:v3+s13+$0x0], $0xffff  }
.Ltmp6:
0xb3: {  	v3 =	vld.idx.msk [tilespmem:v0+s13+$0x0], $0xffff;
	(pc) =	sbr.rel @p0 .LBB2_13-.Ltmp6, $4  }
0xb4: {  	v0 =	vld.idx.msk [tilespmem:v1+s13+$0x0], $0xffff  }
0xb5: {  	s23 =	sadd.s32 $0x80, s23;
	v1 =	vld.idx.msk [tilespmem:v2+s13+$0x0], $0xffff  }
0xb6: {  	v2 =	vld.idx.msk [tilespmem:v4+s13+$0x0], $0xffff;
	[tilespmem:s23+$0x30] =	vst v6  }
0xb7: {  	s25 =	sadd.s32 $0x80, s25;
	v4 =	vld.idx.msk [tilespmem:v7+s13+$0x0], $0xffff;
	[tilespmem:s23+$0xFFFFFFD0] =	vst v8  }
0xb8: {  	[tilespmem:s23+$0xFFFFFFE0] =	vst v5  }
0xb9: {  	[tilespmem:s23+$0xFFFFFFF0] =	vst v3  }
0xba: {  	[tilespmem:s23+$0x0] =	vst v0  }
0xbb: {  	[tilespmem:s23+$0x10] =	vst v1  }
0xbc: {  	[tilespmem:s23+$0x20] =	vst v2  }
0xbd: {  	s30 =	sadd.s32 s22, s8;
	[tilespmem:s23+$0xFFFFFFC0] =	vst v4  }
0xbe: {  	[hbm4b:s30+s11] =	stream.strided.scatter [tilespmem:s16], [sflag:$0x1], $0x1000, s12, s11, $0x38;
	[tilespmem:$0x1E700] =	vst v63  }
0xbf: {  	_ =	swait.ge [sflag:s19], $0x1000  }
0xc0: {  	[sflag:s19] =	ssyncset.done $0x0  }
0xc1: {  	s31 =	simm.s32 $0x3070;
	[sflag:s19] =	ssyncadd.s32 $0xFFFFF000  }
0xc2: {  	v0 =	vld [tilespmem:s31+$0x0]  }
0xc3: {  	v1 =	vld [tilespmem:s31+$0xFFFFFFA0]  }
0xc4: {  	v2 =	vld [tilespmem:s31+$0xFFFFFFB0]  }
0xc5: {  	v3 =	vld [tilespmem:s31+$0xFFFFFFC0]  }
0xc6: {  	v4 =	vld [tilespmem:s31+$0xFFFFFFD0]  }
0xc7: {  	v6 =	vld [tilespmem:s31+$0xFFFFFFE0]  }
0xc8: {  	v7 =	vld [tilespmem:s31+$0xFFFFFFF0]  }
0xc9: {  	v8 =	vld [tilespmem:s31+$0xFFFFFF90]  }
0xca: {  	v9 =	vld.idx.msk [tilespmem:v0+s13+$0x0], $0xffff  }
0xcb: {  	v10 =	vld.idx.msk [tilespmem:v1+s13+$0x0], $0xffff  }
0xcc: {  	v5 =	vld.idx.msk [tilespmem:v2+s13+$0x0], $0xffff  }
0xcd: {  	v3 =	vld.idx.msk [tilespmem:v3+s13+$0x0], $0xffff  }
0xce: {  	v0 =	vld.idx.msk [tilespmem:v4+s13+$0x0], $0xffff  }
0xcf: {  	s23 =	simm.s32 $0x1D740;
	v1 =	vld.idx.msk [tilespmem:v6+s13+$0x0], $0xffff  }
0xd0: {  	v2 =	vld.idx.msk [tilespmem:v7+s13+$0x0], $0xffff;
	[tilespmem:s23+$0x30] =	vst v9  }
0xd1: {  	s24 =	simm.s32 $0x0;
	s25 =	simm.s32 $0x30F0;
	v4 =	vld.idx.msk [tilespmem:v8+s13+$0x0], $0xffff;
	[tilespmem:s23+$0xFFFFFFD0] =	vst v10  }
.LBB2_15:
0xd2: {  	v6 =	vld [tilespmem:s25+$0x0];
	s24 =	sadd.s32 $0x8, s24;
	[tilespmem:s23+$0xFFFFFFE0] =	vst v5  }
0xd3: {  	v5 =	vld [tilespmem:s25+$0xFFFFFFA0];
	p0 =	slt.u32 s24, $0xF8;
	[tilespmem:s23+$0xFFFFFFF0] =	vst v3  }
0xd4: {  	v3 =	vld [tilespmem:s25+$0xFFFFFFB0];
	[tilespmem:s23+$0x0] =	vst v0  }
0xd5: {  	v0 =	vld [tilespmem:s25+$0xFFFFFFC0];
	[tilespmem:s23+$0x10] =	vst v1  }
0xd6: {  	v1 =	vld [tilespmem:s25+$0xFFFFFFD0];
	[tilespmem:s23+$0x20] =	vst v2  }
0xd7: {  	v2 =	vld [tilespmem:s25+$0xFFFFFFE0];
	[tilespmem:s23+$0xFFFFFFC0] =	vst v4  }
0xd8: {  	v4 =	vld [tilespmem:s25+$0xFFFFFFF0]  }
0xd9: {  	v7 =	vld [tilespmem:s25+$0xFFFFFF90]  }
0xda: {  	v6 =	vld.idx.msk [tilespmem:v6+s13+$0x0], $0xffff  }
0xdb: {  	v8 =	vld.idx.msk [tilespmem:v5+s13+$0x0], $0xffff  }
0xdc: {  	v5 =	vld.idx.msk [tilespmem:v3+s13+$0x0], $0xffff  }
.Ltmp7:
0xdd: {  	v3 =	vld.idx.msk [tilespmem:v0+s13+$0x0], $0xffff;
	(pc) =	sbr.rel @p0 .LBB2_15-.Ltmp7, $4  }
0xde: {  	v0 =	vld.idx.msk [tilespmem:v1+s13+$0x0], $0xffff  }
0xdf: {  	s23 =	sadd.s32 $0x80, s23;
	v1 =	vld.idx.msk [tilespmem:v2+s13+$0x0], $0xffff  }
0xe0: {  	v2 =	vld.idx.msk [tilespmem:v4+s13+$0x0], $0xffff;
	[tilespmem:s23+$0x30] =	vst v6  }
0xe1: {  	s25 =	sadd.s32 $0x80, s25;
	v4 =	vld.idx.msk [tilespmem:v7+s13+$0x0], $0xffff;
	[tilespmem:s23+$0xFFFFFFD0] =	vst v8  }
0xe2: {  	[tilespmem:s23+$0xFFFFFFE0] =	vst v5;
	s21 =	sadd.s32 $0x1, s21  }
0xe3: {  	[tilespmem:s23+$0xFFFFFFF0] =	vst v3;
	p0 =	sne.s32 s21, $0x1A  }
.Ltmp8:
0xe4: {  	[tilespmem:s23+$0x0] =	vst v0;
	(pc) =	sbr.rel @p0 .LBB2_2-.Ltmp8, $4  }
0xe5: {  	[tilespmem:s23+$0x10] =	vst v1  }
0xe6: {  	[tilespmem:s23+$0x20] =	vst v2  }
0xe7: {  	s22 =	sadd.s32 s22, s9;
	[tilespmem:s23+$0xFFFFFFC0] =	vst v4  }
0xe8: {  	[hbm4b:s22+s11] =	stream.strided.scatter [tilespmem:s17], [sflag:$0x2], $0x1000, s12, s11, $0x38;
	[tilespmem:$0x1E700] =	vst v63  }
0xe9: {  	s20 =	sadd.s32 $0x1, s20  }
0xea: {  	_ =	swait.ge [sflag:s18], $0x1000;
	p0 =	sne.s32 s20, s10  }
.Ltmp9:
0xeb: {  	[sflag:s18] =	ssyncset.done $0x0;
	(pc) =	sbr.rel @p0 .LBB2_1-.Ltmp9, $4  }
0xec: {  	[sflag:s18] =	ssyncadd.s32 $0xFFFFF000  }
0xed: {  	_ =	swait.ge [sflag:s19], $0x1000  }
0xee: {  	[sflag:s19] =	ssyncset.done $0x0  }
0xef: {  	[sflag:s19] =	ssyncadd.s32 $0xFFFFF000  }
0xf0: {  	_ =	sfence.sel $0x180000  }
0xf1: {  	[bflag:$0x0] =	sbarrier.arrive $0xFFFF  }
0xf2: {  	p0 =	sne.s32 s4, $0x0;
	_ =	strace $0x90000047  }
0xf3: {  	s0 =	sadd.s32 @!p0 $0x100000, s0;
	[bflag:$0x2] =	sbarrier.arrive $0xFFFF  }
0xf4: {  	[sflag:s0] =	ssyncadd.tile.s32 @!p0 $0x1;
	_ =	shalt  }
.Lfunc_end2:
_tile_overlayer_lowered:
.L_overlay_start_2:
0xf5: {  	(tag) =	ssettag $0x2  }
0xf6: {  	s0 =	rddreg [dreg:$0x0];
	s2 =	stileid.u32  }
0xf7: {  	s1 =	rddreg [dreg:$0x1];
	p0 =	sne.s32 s2, $0x0  }
0xf8: {  	s3 =	rddreg [dreg:$0x2];
	[bflag:$0x3] =	sbarrier.arrive $0xFFFF;
	s2 =	simm.s32 @!p0 $0x1C04  }
0xf9: {  	[timem:s3], [sflag:s2] =	dma.local @!p0 [hbm:s0], s1  }
0xfa: {  	s0 =	simm.s32 @!p0 $0x4  }
0xfb: {  	_ =	swait.ge @!p0 [sflag:s0], s1  }
0xfc: {  	s1 =	ssub.s32 @!p0 $0x0, s1;
	[sflag:s0] =	ssyncset.done @!p0 $0x0  }
0xfd: {  	[sflag:s0] =	ssyncadd.s32 @!p0 s1  }
0xfe: {  	[bflag:$0x3] =	sbarrier.arrive $0xFFFF  }
0xff: {  	_ =	shalt  }

</sc_bundles>
